<compile_context>
chip_gen: v7x
topology: tpu7x:2x2x1
jax: 0.10.2.dev20260603
libtpu: 0.0.44.dev20260713+nightly
codegen_flags: <defaults>
</compile_context>

<pallas_src>
import functools

import jax
import jax.numpy as jnp
from jax import lax
from jax.experimental import pallas as pl
from jax.experimental.pallas import tpu as pltpu
from jax.experimental.pallas import tpu_sc as plsc

P, K, D = 1024, 8192, 256
KB = 1024
NUM_BLOCKS = K // KB

_NC, _NS = 2, 16
_NW = _NC * _NS
_BPW = P // _NW


def _argmin_body(a_ref, c_ref, ids_ref, bv_ref, bi_ref):
    i = pl.program_id(0)
    a = a_ref[...]
    c = c_ref[...]
    a2 = jnp.sum(a * a, axis=1, keepdims=True)
    b2 = jnp.sum(c * c, axis=1)
    ab = lax.dot_general(a, c, (((1,), (1,)), ((), ())),
                         preferred_element_type=jnp.float32)
    d2 = a2 + b2[None, :] - 2.0 * ab
    d = jnp.sqrt(jnp.maximum(d2, 0.0))
    vmin = jnp.min(d, axis=1, keepdims=True)
    iota = lax.broadcasted_iota(jnp.int32, d.shape, 1)
    imin = jnp.min(jnp.where(d == vmin, iota, jnp.int32(KB)),
                   axis=1, keepdims=True) + i * KB

    @pl.when(i == 0)
    def _():
        bv_ref[...] = vmin
        bi_ref[...] = imin

    @pl.when(i > 0)
    def _():
        better = vmin < bv_ref[...]
        bv_ref[...] = jnp.where(better, vmin, bv_ref[...])
        bi_ref[...] = jnp.where(better, imin, bi_ref[...])

    @pl.when(i == NUM_BLOCKS - 1)
    def _():
        ids_ref[...] = bi_ref[...]


def _argmin_ids(prompt_embs, clip_embs):
    ids2d = pl.pallas_call(
        _argmin_body,
        grid=(NUM_BLOCKS,),
        in_specs=[
            pl.BlockSpec((P, D), lambda i: (0, 0)),
            pl.BlockSpec((KB, D), lambda i: (i, 0)),
        ],
        out_specs=pl.BlockSpec((P, 1), lambda i: (0, 0)),
        out_shape=jax.ShapeDtypeStruct((P, 1), jnp.int32),
        scratch_shapes=[
            pltpu.VMEM((P, 1), jnp.float32),
            pltpu.VMEM((P, 1), jnp.int32),
        ],
    )(prompt_embs, clip_embs)
    return ids2d.reshape(P)


@functools.partial(
    pl.kernel,
    mesh=plsc.VectorSubcoreMesh(core_axis_name="c", subcore_axis_name="s"),
    out_type=jax.ShapeDtypeStruct((P, D), jnp.float32),
    scratch_types=[
        pltpu.VMEM((_BPW,), jnp.int32),
        pltpu.VMEM((_BPW, D), jnp.float32),
        pltpu.SemaphoreType.DMA,
    ],
)
def _sc_gather(table_hbm, idx_hbm, out_hbm, idx_v, rows_v, sem):
    wid = lax.axis_index("s") * _NC + lax.axis_index("c")
    base = wid * _BPW
    pltpu.sync_copy(idx_hbm.at[pl.ds(base, _BPW)], idx_v)
    pltpu.async_copy(table_hbm.at[idx_v], rows_v, sem).wait()
    pltpu.sync_copy(rows_v, out_hbm.at[pl.ds(base, _BPW)])


def kernel(prompt_embs, clip_embs):
    ids = _argmin_ids(prompt_embs, clip_embs)
    vocab = _sc_gather(clip_embs, ids)
    out = lax.stop_gradient(vocab - prompt_embs) + prompt_embs
    return (out, ids)

# --- scband reference (transcript-rebuilt; emitter-appended) ---
"""Pipeline reference for scband-vqvae1-34325378630027 (READ-ONLY COPY).

The authoritative reference and input builder live on the scoring server;
editing this copy changes nothing except your own understanding.
"""

import jax, jax.numpy as jnp
import numpy as np


def setup_inputs(seed: int = 0) -> dict:
    key = jax.random.key(seed)
    k1, k2 = jax.random.split(key)
    # learned prompt embeddings, init normal std=0.02 (as in module)
    prompt_embs = jax.random.normal(k1, (1024, 256), dtype=jnp.float32) * 0.02
    # frozen CLIP vocab/codebook embeddings (clip_embs.weight.data)
    clip_embs = jax.random.normal(k2, (8192, 256), dtype=jnp.float32)
    return {"prompt_embs": prompt_embs, "clip_embs": clip_embs}


def _cdist_p2(a, b):
    # pairwise euclidean distance, same math as torch.cdist(p=2),
    # computed via expansion to avoid materializing [P, K, d]
    a2 = jnp.sum(a * a, axis=1)[:, None]
    b2 = jnp.sum(b * b, axis=1)[None, :]
    d2 = a2 + b2 - 2.0 * (a @ b.T)
    return jnp.sqrt(jnp.maximum(d2, 0.0))


def reference(prompt_embs, clip_embs):
    # find_nearest
    dists = _cdist_p2(prompt_embs, clip_embs)
    prompt_ids = jnp.argmin(dists, axis=1)
    # gather quantized embeddings
    vocab_embs = jnp.take(clip_embs, prompt_ids, axis=0)
    # straight_through: (out_val - out_grad).detach() + out_grad
    out_embs = jax.lax.stop_gradient(vocab_embs - prompt_embs) + prompt_embs
    # Munch(clip_embs=out_embs, gpt_embs=out_embs, ids=...) -> return tuple
    return (out_embs, prompt_ids)

if __name__ == "__main__":
    import jax
    _d = setup_inputs()
    print(jax.jit(kernel)(*tuple(_d.values())))

</pallas_src>

<mosaic_0001>
#map = affine_map<(d0, d1) -> (0, 0)>
#map1 = affine_map<(d0, d1) -> (0)>
module attributes {stable_mosaic.version = 14 : i64} {
  func.func @_sc_gather(%arg0: i32, %arg1: i32, %arg2: memref<8192x256xf32, #tpu.memory_space<hbm>>, %arg3: memref<1024xi32, #tpu.memory_space<hbm>>, %arg4: memref<1024x256xf32, #tpu.memory_space<hbm>>, %arg5: memref<32xi32, #tpu.memory_space<vmem>>, %arg6: memref<32x256xf32, #tpu.memory_space<vmem>>, %arg7: memref<!tpu.dma_semaphore, #tpu.memory_space<semaphore_mem>>) attributes {dimension_semantics = [#tpu.dimension_semantics<core_parallel>, #tpu.dimension_semantics<subcore_parallel>], iteration_bounds = array<i64: 2, 16>, scalar_prefetch = 0 : i64, scratch_operands = 3 : i64, tpu.core_type = #tpu.core_type<sc_vector_subcore>, window_params = [{transform_indices = #map}, {transform_indices = #map1}, {transform_indices = #map}]} {
    %mul3A = arith.constant 2 : i32
    %mul3A_0 = arith.muli %arg1, %mul3A : i32
    %add3A = arith.addi %mul3A_0, %arg0 : i32
    %mul3A_1 = arith.constant 32 : i32
    %mul3A_2 = arith.muli %add3A, %mul3A_1 : i32
    "tpu.region"() ({
      %run_scoped3A = tpu.sem_alloc : memref<!tpu.dma_semaphore, #tpu.memory_space<semaphore_mem>>
      %dma_start3A_7 = tpu.memref_slice %arg3[%mul3A_2] : memref<1024xi32, #tpu.memory_space<hbm>> -> memref<32xi32, #tpu.memory_space<hbm>>
      %dma_start3A_8 = tpu.memref_slice %arg3[%mul3A_2] : memref<1024xi32, #tpu.memory_space<hbm>> -> memref<32xi32, #tpu.memory_space<hbm>>
      tpu.enqueue_dma source(%dma_start3A_8 : memref<32xi32, #tpu.memory_space<hbm>>) target(%arg5 : memref<32xi32, #tpu.memory_space<vmem>>) target_semaphore(%run_scoped3A : memref<!tpu.dma_semaphore, #tpu.memory_space<semaphore_mem>>)
      %dma_wait3A_9 = tpu.memref_slice %arg3[%mul3A_2] : memref<1024xi32, #tpu.memory_space<hbm>> -> memref<32xi32, #tpu.memory_space<hbm>>
      %dma_wait3A_10 = tpu.memref_slice %arg3[%mul3A_2] : memref<1024xi32, #tpu.memory_space<hbm>> -> memref<32xi32, #tpu.memory_space<hbm>>
      tpu.wait_dma2 semaphore(%run_scoped3A : memref<!tpu.dma_semaphore, #tpu.memory_space<semaphore_mem>>) src(%dma_wait3A_10 : memref<32xi32, #tpu.memory_space<hbm>>) dst(%arg5 : memref<32xi32, #tpu.memory_space<vmem>>)
      tpu.yield
    }) : () -> ()
    %dma_start3A = arith.constant 0 : i32
    %dma_start3A_3 = arith.constant 0 : i32
    %dma_start3A_4 = tpu.memref_slice %arg2[%dma_start3A, %dma_start3A_3] : memref<8192x256xf32, #tpu.memory_space<hbm>> -> memref<8192x256xf32, #tpu.memory_space<hbm>>
    tpu.enqueue_indirect_dma source(%dma_start3A_4 : memref<8192x256xf32, #tpu.memory_space<hbm>>) target(%arg6 : memref<32x256xf32, #tpu.memory_space<vmem>>) offsets(%arg5 : memref<32xi32, #tpu.memory_space<vmem>>) semaphore(%arg7 : memref<!tpu.dma_semaphore, #tpu.memory_space<semaphore_mem>>)
    %dma_wait3A = arith.constant 0 : i32
    %dma_wait3A_5 = arith.constant 0 : i32
    %dma_wait3A_6 = tpu.memref_slice %arg2[%dma_wait3A, %dma_wait3A_5] : memref<8192x256xf32, #tpu.memory_space<hbm>> -> memref<8192x256xf32, #tpu.memory_space<hbm>>
    tpu.wait_indirect_dma semaphore(%arg7 : memref<!tpu.dma_semaphore, #tpu.memory_space<semaphore_mem>>) src(%dma_wait3A_6 : memref<8192x256xf32, #tpu.memory_space<hbm>>) dst(%arg6 : memref<32x256xf32, #tpu.memory_space<vmem>>)
    "tpu.region"() ({
      %run_scoped3A = tpu.sem_alloc : memref<!tpu.dma_semaphore, #tpu.memory_space<semaphore_mem>>
      %dma_start3A_7 = arith.constant 0 : i32
      %dma_start3A_8 = tpu.memref_slice %arg4[%mul3A_2, %dma_start3A_7] : memref<1024x256xf32, #tpu.memory_space<hbm>> -> memref<32x256xf32, #tpu.memory_space<hbm>>
      %dma_start3A_9 = arith.constant 0 : i32
      %dma_start3A_10 = tpu.memref_slice %arg4[%mul3A_2, %dma_start3A_9] : memref<1024x256xf32, #tpu.memory_space<hbm>> -> memref<32x256xf32, #tpu.memory_space<hbm>>
      tpu.enqueue_dma source(%arg6 : memref<32x256xf32, #tpu.memory_space<vmem>>) target(%dma_start3A_10 : memref<32x256xf32, #tpu.memory_space<hbm>>) target_semaphore(%run_scoped3A : memref<!tpu.dma_semaphore, #tpu.memory_space<semaphore_mem>>)
      %dma_wait3A_11 = arith.constant 0 : i32
      %dma_wait3A_12 = tpu.memref_slice %arg4[%mul3A_2, %dma_wait3A_11] : memref<1024x256xf32, #tpu.memory_space<hbm>> -> memref<32x256xf32, #tpu.memory_space<hbm>>
      %dma_wait3A_13 = arith.constant 0 : i32
      %dma_wait3A_14 = tpu.memref_slice %arg4[%mul3A_2, %dma_wait3A_13] : memref<1024x256xf32, #tpu.memory_space<hbm>> -> memref<32x256xf32, #tpu.memory_space<hbm>>
      tpu.wait_dma2 semaphore(%run_scoped3A : memref<!tpu.dma_semaphore, #tpu.memory_space<semaphore_mem>>) src(%arg6 : memref<32x256xf32, #tpu.memory_space<vmem>>) dst(%dma_wait3A_14 : memref<32x256xf32, #tpu.memory_space<hbm>>)
      tpu.yield
    }) : () -> ()
    return
  }
}

module attributes {stable_mosaic.version = 14 : i64} {
  func.func @_argmin_body(%arg0: i32, %arg1: memref<1024x256xf32, #tpu.memory_space<vmem>>, %arg2: memref<1024x256xf32, #tpu.memory_space<vmem>>, %arg3: memref<1024x1xi32, #tpu.memory_space<vmem>>, %arg4: memref<1024x1xf32, #tpu.memory_space<vmem>>, %arg5: memref<1024x1xi32, #tpu.memory_space<vmem>>) attributes {dimension_semantics = [#tpu.dimension_semantics<arbitrary>], iteration_bounds = array<i64: 8>, scalar_prefetch = 0 : i64, scratch_operands = 2 : i64, tpu.core_type = #tpu.core_type<tc>, window_params = [{pipeline_mode = #tpu.pipeline_mode<synchronous>, transform_indices = @transform_0, window_bounds = array<i64: 1024, 256>}, {transform_indices = @transform_1, window_bounds = array<i64: 1024, 256>}, {pipeline_mode = #tpu.pipeline_mode<synchronous>, transform_indices = @transform_2, window_bounds = array<i64: 1024, 1>}]} {
    %get3A = arith.constant 0 : index
    %get3A_0 = arith.constant 0 : index
    %get3A_1 = vector.load %arg1[%get3A, %get3A_0] : memref<1024x256xf32, #tpu.memory_space<vmem>>, vector<1024x256xf32>
    %get3A_2 = arith.constant 0 : index
    %get3A_3 = arith.constant 0 : index
    %get3A_4 = vector.load %arg2[%get3A_2, %get3A_3] : memref<1024x256xf32, #tpu.memory_space<vmem>>, vector<1024x256xf32>
    %mul3A = arith.mulf %get3A_1, %get3A_1 : vector<1024x256xf32>
    %reduce_sum3A = arith.constant dense<0.000000e+00> : vector<1024xf32>
    %reduce_sum3A_5 = vector.multi_reduction <add>, %mul3A, %reduce_sum3A [1] : vector<1024x256xf32> to vector<1024xf32>
    %broadcast_in_dim3A = vector.shape_cast %reduce_sum3A_5 : vector<1024xf32> to vector<1024x1xf32>
    %mul3A_6 = arith.mulf %get3A_4, %get3A_4 : vector<1024x256xf32>
    %reduce_sum3A_7 = arith.constant dense<0.000000e+00> : vector<1024xf32>
    %reduce_sum3A_8 = vector.multi_reduction <add>, %mul3A_6, %reduce_sum3A_7 [1] : vector<1024x256xf32> to vector<1024xf32>
    %dot_general3A = arith.constant dense<0.000000e+00> : vector<1024x1024xf32>
    %dot_general3A_9 = tpu.matmul %get3A_1, %get3A_4, %dot_general3A {dimension_numbers = #tpu.dot_dimension_numbers<[1], [1], [0], [0], [0, 0, 1, 0], [], []>, transpose_lhs_hint = false} : vector<1024x256xf32>, vector<1024x256xf32>, vector<1024x1024xf32> -> vector<1024x1024xf32>
    %broadcast_in_dim3A_10 = vector.shape_cast %reduce_sum3A_8 : vector<1024xf32> to vector<1x1024xf32>
    %add3A = vector.broadcast %broadcast_in_dim3A : vector<1024x1xf32> to vector<1024x1024xf32>
    %add3A_11 = vector.broadcast %broadcast_in_dim3A_10 : vector<1x1024xf32> to vector<1024x1024xf32>
    %add3A_12 = arith.addf %add3A, %add3A_11 : vector<1024x1024xf32>
    %mul3A_13 = arith.constant 2.000000e+00 : f32
    %mul3A_14 = vector.broadcast %mul3A_13 : f32 to vector<1024x1024xf32>
    %mul3A_15 = arith.mulf %mul3A_14, %dot_general3A_9 : vector<1024x1024xf32>
    %sub3A = arith.subf %add3A_12, %mul3A_15 : vector<1024x1024xf32>
    %max3A = arith.constant 0.000000e+00 : f32
    %max3A_16 = vector.broadcast %max3A : f32 to vector<1024x1024xf32>
    %max3A_17 = arith.maximumf %sub3A, %max3A_16 : vector<1024x1024xf32>
    %sqrt3A = math.sqrt %max3A_17 : vector<1024x1024xf32>
    %reduce_min3A = arith.constant dense<0x7F800000> : vector<1024xf32>
    %reduce_min3A_18 = vector.multi_reduction <minimumf>, %sqrt3A, %reduce_min3A [1] : vector<1024x1024xf32> to vector<1024xf32>
    %broadcast_in_dim3A_19 = vector.shape_cast %reduce_min3A_18 : vector<1024xf32> to vector<1024x1xf32>
    %iota3A = tpu.iota {dimensions = array<i32: 1>} : vector<1024x1024xi32>
    %eq3A = vector.broadcast %broadcast_in_dim3A_19 : vector<1024x1xf32> to vector<1024x1024xf32>
    %eq3A_20 = arith.cmpf oeq, %sqrt3A, %eq3A : vector<1024x1024xf32>
    %jit3A = arith.constant 1024 : i32
    %broadcast_in_dim3A_21 = vector.broadcast %jit3A : i32 to vector<1024x1024xi32>
    %select_n3A = arith.select %eq3A_20, %iota3A, %broadcast_in_dim3A_21 : vector<1024x1024xi1>, vector<1024x1024xi32>
    %reduce_min3A_22 = arith.constant dense<2147483647> : vector<1024xi32>
    %reduce_min3A_23 = vector.multi_reduction <minsi>, %select_n3A, %reduce_min3A_22 [1] : vector<1024x1024xi32> to vector<1024xi32>
    %broadcast_in_dim3A_24 = vector.shape_cast %reduce_min3A_23 : vector<1024xi32> to vector<1024x1xi32>
    %mul3A_25 = arith.constant 1024 : i32
    %mul3A_26 = arith.muli %arg0, %mul3A_25 : i32
    %add3A_27 = vector.broadcast %mul3A_26 : i32 to vector<1024x1xi32>
    %add3A_28 = arith.addi %broadcast_in_dim3A_24, %add3A_27 : vector<1024x1xi32>
    %eq3A_29 = arith.constant 0 : i32
    %eq3A_30 = arith.cmpi eq, %arg0, %eq3A_29 : i32
    %convert_element_type3A = arith.extui %eq3A_30 : i1 to i32
    %cond3A = arith.constant 0 : i32
    %cond3A_31 = arith.cmpi ne, %convert_element_type3A, %cond3A : i32
    scf.if %cond3A_31 {
      %swap3A = arith.constant 0 : index
      %swap3A_41 = arith.constant 0 : index
      %swap3A_42 = vector.load %arg4[%swap3A, %swap3A_41] : memref<1024x1xf32, #tpu.memory_space<vmem>>, vector<1024x1xf32>
      tpu.vector_store %arg4[%swap3A, %swap3A_41], %broadcast_in_dim3A_19 {strides = array<i32>} : memref<1024x1xf32, #tpu.memory_space<vmem>>, vector<1024x1xf32>,
      %swap3A_43 = arith.constant 0 : index
      %swap3A_44 = arith.constant 0 : index
      %swap3A_45 = vector.load %arg5[%swap3A_43, %swap3A_44] : memref<1024x1xi32, #tpu.memory_space<vmem>>, vector<1024x1xi32>
      tpu.vector_store %arg5[%swap3A_43, %swap3A_44], %add3A_28 {strides = array<i32>} : memref<1024x1xi32, #tpu.memory_space<vmem>>, vector<1024x1xi32>,
    } else {
    }
    %gt3A = arith.constant 0 : i32
    %gt3A_32 = arith.cmpi sgt, %arg0, %gt3A : i32
    %convert_element_type3A_33 = arith.extui %gt3A_32 : i1 to i32
    %cond3A_34 = arith.constant 0 : i32
    %cond3A_35 = arith.cmpi ne, %convert_element_type3A_33, %cond3A_34 : i32
    scf.if %cond3A_35 {
      %get3A_41 = arith.constant 0 : index
      %get3A_42 = arith.constant 0 : index
      %get3A_43 = vector.load %arg4[%get3A_41, %get3A_42] : memref<1024x1xf32, #tpu.memory_space<vmem>>, vector<1024x1xf32>
      %lt3A = arith.cmpf olt, %broadcast_in_dim3A_19, %get3A_43 : vector<1024x1xf32>
      %get3A_44 = arith.constant 0 : index
      %get3A_45 = arith.constant 0 : index
      %get3A_46 = vector.load %arg4[%get3A_44, %get3A_45] : memref<1024x1xf32, #tpu.memory_space<vmem>>, vector<1024x1xf32>
      %select_n3A_47 = arith.select %lt3A, %broadcast_in_dim3A_19, %get3A_46 : vector<1024x1xi1>, vector<1024x1xf32>
      %swap3A = arith.constant 0 : index
      %swap3A_48 = arith.constant 0 : index
      %swap3A_49 = vector.load %arg4[%swap3A, %swap3A_48] : memref<1024x1xf32, #tpu.memory_space<vmem>>, vector<1024x1xf32>
      tpu.vector_store %arg4[%swap3A, %swap3A_48], %select_n3A_47 {strides = array<i32>} : memref<1024x1xf32, #tpu.memory_space<vmem>>, vector<1024x1xf32>,
      %get3A_50 = arith.constant 0 : index
      %get3A_51 = arith.constant 0 : index
      %get3A_52 = vector.load %arg5[%get3A_50, %get3A_51] : memref<1024x1xi32, #tpu.memory_space<vmem>>, vector<1024x1xi32>
      %select_n3A_53 = arith.select %lt3A, %add3A_28, %get3A_52 : vector<1024x1xi1>, vector<1024x1xi32>
      %swap3A_54 = arith.constant 0 : index
      %swap3A_55 = arith.constant 0 : index
      %swap3A_56 = vector.load %arg5[%swap3A_54, %swap3A_55] : memref<1024x1xi32, #tpu.memory_space<vmem>>, vector<1024x1xi32>
      tpu.vector_store %arg5[%swap3A_54, %swap3A_55], %select_n3A_53 {strides = array<i32>} : memref<1024x1xi32, #tpu.memory_space<vmem>>, vector<1024x1xi32>,
    } else {
    }
    %eq3A_36 = arith.constant 7 : i32
    %eq3A_37 = arith.cmpi eq, %arg0, %eq3A_36 : i32
    %convert_element_type3A_38 = arith.extui %eq3A_37 : i1 to i32
    %cond3A_39 = arith.constant 0 : i32
    %cond3A_40 = arith.cmpi ne, %convert_element_type3A_38, %cond3A_39 : i32
    scf.if %cond3A_40 {
      %get3A_41 = arith.constant 0 : index
      %get3A_42 = arith.constant 0 : index
      %get3A_43 = vector.load %arg5[%get3A_41, %get3A_42] : memref<1024x1xi32, #tpu.memory_space<vmem>>, vector<1024x1xi32>
      %swap3A = arith.constant 0 : index
      %swap3A_44 = arith.constant 0 : index
      %swap3A_45 = vector.load %arg3[%swap3A, %swap3A_44] : memref<1024x1xi32, #tpu.memory_space<vmem>>, vector<1024x1xi32>
      tpu.vector_store %arg3[%swap3A, %swap3A_44], %get3A_43 {strides = array<i32>} : memref<1024x1xi32, #tpu.memory_space<vmem>>, vector<1024x1xi32>,
    } else {
    }
    return
  }
  func.func @transform_0(%arg0: i32) -> (i32, i32) {
    %c0_i32 = arith.constant 0 : i32
    %c0_i32_0 = arith.constant 0 : i32
    %c0_i32_1 = arith.constant 0 : i32
    return %c0_i32, %c0_i32_0 : i32, i32
  }
  func.func @transform_1(%arg0: i32) -> (i32, i32) {
    %c0_i32 = arith.constant 0 : i32
    %c0_i32_0 = arith.constant 0 : i32
    return %arg0, %c0_i32 : i32, i32
  }
  func.func @transform_2(%arg0: i32) -> (i32, i32) {
    %c0_i32 = arith.constant 0 : i32
    %c0_i32_0 = arith.constant 0 : i32
    %c0_i32_1 = arith.constant 0 : i32
    return %c0_i32, %c0_i32_0 : i32, i32
  }
}

</mosaic_0001>

<sc_bundles>
// kernel: kernel.4.cloned.1.call-start
scs
__scs_entry_jumppad:
0x0: {  	(pc) =	sbr.rel $0x88, $3  }
0x1: {  	(tag) =	ssettag $0x0;
	lr =	simm.s32 $0x1  }
0x2: {  	[smem:$0x3F9F] =	sst lr;
	_ =	strace $0xD0000000  }
0x3: {  	_ = 	snop  }
0x4: {  	_ = 	snop  }
0x5: {  	_ = 	snop  }
0x6: {  	_ = 	snop  }
0x7: {  	_ = 	snop  }
__scs_overlays_trampoline_lowered:
0x8: {  	[smem:$0x3FAE] =	sst s0  }
0x9: {  	[smem:$0x3FAF] =	sst s1  }
0xa: {  	[smem:$0x3FB0] =	sst s2  }
0xb: {  	[smem:$0x3FB1] =	sst s3  }
0xc: {  	[smem:$0x3FB2] =	sst s4  }
0xd: {  	[smem:$0x3FB3] =	sst s5  }
0xe: {  	[smem:$0x3FB4] =	sst s6  }
0xf: {  	[smem:$0x3FB5] =	sst s7  }
0x10: {  	[smem:$0x3FB6] =	sst s8  }
0x11: {  	[smem:$0x3FB7] =	sst s9;
	s0 =	simm.s32 @!p0 $0x0  }
0x12: {  	s1 =	sld [smem:$0x3F9D];
	s0 =	simm.s32 @p0 $0x1  }
0x13: {  	[smem:$0x3FB8] =	sst s0;
	s0 =	simm.s32 @!p1 $0x0  }
0x14: {  	s2 =	sld [smem:$0x3F9C];
	s0 =	simm.s32 @p1 $0x1  }
0x15: {  	[smem:$0x3FB9] =	sst s0;
	s0 =	simm.s32 @!p2 $0x0  }
0x16: {  	s3 =	sld [smem:$0x3FDB];
	s0 =	simm.s32 @p2 $0x1  }
0x17: {  	s4 =	simm.s32 $0x1BF5;
	[smem:$0x3FBB] =	sst s0  }
0x18: {  	s0 =	sld [smem:$0x3F9E];
	_ =	swait.ge [sflag:s4], $0x0  }
0x19: {  	s7 =	sld [smem:$0x3F9F]  }
0x1a: {  	s8 =	sadd.s32 $0xFFFFE003, lr  }
0x1b: {  	s9 =	sadd.s32 $0xFFFFFEF7, lr;
	s5 =	simm.s32 $0xFFFFFFFF;
	p2 =	slt.u32 s8, $0xFFFFF086  }
0x1c: {  	p1 =	slt.u32 s9, $0xF7A;
	s5 =	simm.s32 @!p2 $0x0  }
0x1d: {  	s5 =	simm.s32 @p1 $0x1;
	p0 =	seq.s32 s7, s2  }
0x1e: {  	s7 =	smul.u32 @!p0 $0xF7A, s2;
	p2 =	seq.s32 @!p0 s5, $0x0  }
0x1f: {  	s9 =	smul.u32 $0xF7A, s1;
	s8 =	simm.s32 @!p0 $0x1BF5;
	p2 =	por !p2, p0  }
0x20: {  	[sflag:s8] =	ssyncset.s32 @!p0 $0xFFFFF086;
	s6 =	sadd.s32 @!p0 s3, s7;
	s7 =	simm.s32 @!p0 $0x108  }
0x21: {  	s3 =	sadd.s32 s3, s9;
	s6 =	sadd.s32 @!p0 $0x88, s6;
	s7 =	simm.s32 @p2 $0x1082  }
0x22: {  	[simem:s7], [sflag:s8] =	dma.local @!p0 [hbm:s6], $0xF7A  }
0x23: {  	s9 =	sor.u32 $0xD0000000, s2;
	s6 =	simm.s32 $0x108;
	_ =	swait.ge @!p0 [sflag:s8], $0x0  }
0x24: {  	s3 =	sadd.s32 $0x88, s3;
	s6 =	simm.s32 @!p1 $0x1082;
	[sflag:s4] =	ssyncset.s32 $0xFFFFF086  }
0x25: {  	[simem:s6], [sflag:s4] =	dma.local [hbm:s3], $0xF7A  }
0x26: {  	[smem:$0x3F9F] =	sst s1;
	(tag) =	ssettag s2;
	_ =	strace s9  }
0x27: {  	s1 =	sld [smem:$0x3FAF]  }
0x28: {  	s2 =	sld [smem:$0x3FB0]  }
0x29: {  	s4 =	sld [smem:$0x3FB2]  }
0x2a: {  	p0 =	seq.s32 s5, $0x0;
	s5 =	sld [smem:$0x3FB3]  }
0x2b: {  	s6 =	sld [smem:$0x3FB4]  }
0x2c: {  	s7 =	sld [smem:$0x3FB5]  }
0x2d: {  	s3 =	simm.s32 $0x108;
	s8 =	sld [smem:$0x3FB6]  }
0x2e: {  	s3 =	simm.s32 @!p0 $0x1082;
	s9 =	sld [smem:$0x3FB7]  }
0x2f: {  	lr =	sadd.s32 s0, s3;
	s0 =	sld [smem:$0x3FAE]  }
0x30: {  	s3 =	sld [smem:$0x3FB1]  }
0x31: {  	[smem:$0x3FBA] =	sst s10  }
0x32: {  	s10 =	sld [smem:$0x3FB8];
	_ =	sdelay $0x3  }
0x33: {  	p0 =	seq.s32 s10, $0x1;
	s10 =	sld [smem:$0x3FBA];
	_ =	sdelay $0x3  }
0x34: {  	[smem:$0x3FBA] =	sst s10  }
0x35: {  	s10 =	sld [smem:$0x3FB9];
	_ =	sdelay $0x3  }
0x36: {  	p1 =	seq.s32 s10, $0x1;
	s10 =	sld [smem:$0x3FBA];
	_ =	sdelay $0x3  }
0x37: {  	[smem:$0x3FBA] =	sst s10  }
0x38: {  	s10 =	sld [smem:$0x3FBB]  }
0x39: {  	_ = 	snop;
	(pc) =	sbr.ind lr, $3  }
0x3a: {  	_ = 	snop  }
0x3b: {  	_ = 	snop  }
0x3c: {  	p2 =	seq.s32 s10, $0x1;
	s10 =	sld [smem:$0x3FBA]  }
0x3d: {  	_ =	shalt  }
0x3e: {  	_ =	shalt  }
0x3f: {  	_ =	shalt  }
0x40: {  	_ =	shalt  }
0x41: {  	_ =	shalt  }
0x42: {  	_ =	shalt  }
0x43: {  	_ =	shalt  }
0x44: {  	_ =	shalt  }
0x45: {  	_ =	shalt  }
0x46: {  	_ =	shalt  }
0x47: {  	_ =	shalt  }
0x48: {  	_ =	shalt  }
0x49: {  	_ =	shalt  }
0x4a: {  	_ =	shalt  }
0x4b: {  	_ =	shalt  }
0x4c: {  	_ =	shalt  }
0x4d: {  	_ =	shalt  }
0x4e: {  	_ =	shalt  }
0x4f: {  	_ =	shalt  }
0x50: {  	_ =	shalt  }
0x51: {  	_ =	shalt  }
0x52: {  	_ =	shalt  }
0x53: {  	_ =	shalt  }
0x54: {  	_ =	shalt  }
0x55: {  	_ =	shalt  }
0x56: {  	_ =	shalt  }
0x57: {  	_ =	shalt  }
0x58: {  	_ =	shalt  }
0x59: {  	_ =	shalt  }
0x5a: {  	_ =	shalt  }
0x5b: {  	_ =	shalt  }
0x5c: {  	_ =	shalt  }
0x5d: {  	_ =	shalt  }
0x5e: {  	_ =	shalt  }
0x5f: {  	_ =	shalt  }
0x60: {  	_ =	shalt  }
0x61: {  	_ =	shalt  }
0x62: {  	_ =	shalt  }
0x63: {  	_ =	shalt  }
0x64: {  	_ =	shalt  }
0x65: {  	_ =	shalt  }
0x66: {  	_ =	shalt  }
0x67: {  	_ =	shalt  }
0x68: {  	_ =	shalt  }
0x69: {  	_ =	shalt  }
0x6a: {  	_ =	shalt  }
0x6b: {  	_ =	shalt  }
0x6c: {  	_ =	shalt  }
0x6d: {  	_ =	shalt  }
0x6e: {  	_ =	shalt  }
0x6f: {  	_ =	shalt  }
0x70: {  	_ =	shalt  }
0x71: {  	_ =	shalt  }
0x72: {  	_ =	shalt  }
0x73: {  	_ =	shalt  }
0x74: {  	_ =	shalt  }
0x75: {  	_ =	shalt  }
0x76: {  	_ =	shalt  }
0x77: {  	_ =	shalt  }
0x78: {  	_ =	shalt  }
0x79: {  	_ =	shalt  }
0x7a: {  	_ =	shalt  }
0x7b: {  	_ =	shalt  }
0x7c: {  	_ =	shalt  }
0x7d: {  	_ =	shalt  }
0x7e: {  	_ =	shalt  }
0x7f: {  	_ =	shalt  }
0x80: {  	_ =	shalt  }
0x81: {  	_ =	shalt  }
0x82: {  	_ =	shalt  }
0x83: {  	_ =	shalt  }
0x84: {  	_ =	shalt  }
0x85: {  	_ =	shalt  }
0x86: {  	_ =	shalt  }
0x87: {  	_ =	shalt  }
.Lfunc_end0:
.L_simem_size_0:
called_computation_lowered:
.L_overlay_start_0:
0x88: {  	s2 =	sld [smem:$0x3FD9]  }
0x89: {  	s3 =	sld [smem:$0x3FFE];
	_ =	sdelay $0x1  }
0x8a: {  	s1 =	srdreg.scid  }
0x8b: {  	s0 =	sand.u32 $0x1, s1  }
0x8c: {  	s15 =	sshll.u32 s0, $0xA;
	s2 =	sadd.s32 s3, s2  }
0x8d: {  	s2 =	sadd.s32 s2, s15  }
0x8e: {  	[smem:$0x3FC6] =	sst s2  }
0x8f: {  	_ = 	snop  }
0x90: {  	s2 =	sld [smem:$0x3FD0];
	_ =	sdelay $0x2  }
0x91: {  	s4 =	simm.s32 $0xA;
	s5 =	simm.s32 $0x10;
	s16 =	sld [smem:$0x3FC8]  }
0x92: {  	[smem:s5], [sflag:s4] =	dma.local [hbm:s2], $0x1  }
0x93: {  	_ =	swait.eq [sflag:s4], $0x1  }
0x94: {  	[sflag:s4] =	ssyncset.done $0x0  }
0x95: {  	s17 =	sld [smem:$0x10];
	[sflag:s4] =	ssyncadd.s32 $0xFFFFFFFF  }
0x96: {  	s18 =	sld [smem:$0x11];
	(tm) =	ssettm $0x1  }
0x97: {  	s19 =	sld [smem:$0x3FFB];
	_ =	sdelay $0x3  }
0x98: {  	_ =	strace s19  }
0x99: {  	s5 =	sld [smem:$0x3FFC];
	_ =	sdelay $0x3  }
0x9a: {  	_ =	strace s5  }
0x9b: {  	s5 =	sld [smem:$0x3FFD];
	_ =	sdelay $0x3  }
0x9c: {  	_ =	strace s5  }
0x9d: {  	_ =	strace $0x8FFFFFFF  }
0x9e: {  	s20 =	sld [smem:$0x3FDB];
	_ =	sdelay $0x1  }
0x9f: {  	s6 =	simm.s32 $_scs_section_size  }
0xa0: {  	s7 =	simm.s32 $_size__tile_overlayer_lowered;
	s8 =	simm.s32 $_tile_overlayer_lowered  }
0xa1: {  	s23 =	simm.s32 $0x1BFF;
	s22 =	sshll.u32 s8, $0x1;
	s5 =	sadd.s32 s6, s20  }
0xa2: {  	s9 =	simm.s32 $0x0;
	s21 =	sshll.u32 s7, $0x1;
	s7 =	sadd.s32 s22, s5  }
0xa3: {  	[timem:s9], [sflag:s23] =	dma.local [hbm:s7], s21  }
0xa4: {  	_ =	swait.ge [sflag:s23], s21  }
0xa5: {  	s6 =	ssub.s32 $0x0, s21;
	[sflag:s23] =	ssyncset.done $0x0  }
0xa6: {  	[sflag:s23] =	ssyncadd.s32 s6;
	_ =	sdelay $0x1  }
0xa7: {  	s24 =	simm.s32 $0x1B8B  }
0xa8: {  	_ =	swait.ge [sflag:s24], $0x1  }
0xa9: {  	[sflag:s24] =	ssyncset.done $0x0  }
0xaa: {  	s25 =	simm.s32 $0x1B8E;
	[sflag:s24] =	ssyncadd.s32 $0xFFFFFFFF  }
0xab: {  	s26 =	simm.s32 $execute0_lowered;
	[smem:$0x3FD2] =	sst s25  }
0xac: {  	s6 =	sshll.u32 s26, $0x1;
	_ =	strace $0x80000046;
	[dreg:$0x1] =	wrdreg $0xFFFFFFFF  }
0xad: {  	s28 =	simm.s32 $_size_execute0_lowered;
	s5 =	sadd.s32 s5, s6;
	[dreg:$0x0] =	wrdreg $0x0  }
0xae: {  	s6 =	sshll.u32 s28, $0x1;
	[dreg:$0x2] =	wrdreg s5  }
0xaf: {  	[dreg:$0x3] =	wrdreg s6  }
0xb0: {  	[dreg:$0x4] =	wrdreg $0xC0  }
0xb1: {  	_ =	task [dreg:s9], $0x5FFFF  }
0xb2: {  	[dreg:$0x1] =	wrdreg $0xFFFFFFFF  }
0xb3: {  	[dreg:$0x0] =	wrdreg $0x60  }
0xb4: {  	[dreg:$0x2] =	wrdreg s16  }
0xb5: {  	[dreg:$0x3] =	wrdreg s18  }
0xb6: {  	[dreg:$0x4] =	wrdreg s17  }
0xb7: {  	[dreg:$0x5] =	wrdreg $0x9  }
0xb8: {  	_ =	task.clear_ibuf [dreg:s9], $0x6FFFF;
	_ =	strace $0x90000046  }
0xb9: {  	s29 =	simm.s32 $0x9;
	_ =	strace $0x80000048  }
0xba: {  	_ =	swait.ge [sflag:s29], $0x1  }
0xbb: {  	[sflag:s29] =	ssyncadd.s32 $0xFFFFFFFF  }
0xbc: {  	_ =	strace $0x90000048  }
0xbd: {  	_ =	sfence  }
0xbe: {  	s30 =	sld [smem:$0x0];
	_ =	sdelay $0x2  }
0xbf: {  	s31 =	sshll.u32 s1, $0xD;
	s1 =	sshrl.u32 s1, $0x2  }
0xc0: {  	s3 =	sand.u32 $0x4000, s31;
	s1 =	sadd.s32 s1, s30  }
0xc1: {  	s0 =	sor.u32 s3, s0;
	s1 =	sshll.u32 s1, $0x11  }
0xc2: {  	s0 =	sor.u32 s1, s0  }
0xc3: {  	s0 =	sadd.s32 $0x8F2B, s0  }
0xc4: {  	[sflag:s0] =	ssyncadd.remote.s32 $0x1  }
0xc5: {  	_ =	sfence.sel $0xFFFF  }
0xc6: {  	[dreg:$0x0] =	wrdreg $0xFFFFFFFF;
	(pc) =	sbr.abs _section_cstart, $3  }
0xc7: {  	[dreg:$0x1] =	wrdreg $0xFFFFFFFF  }
0xc8: {  	_ =	task.clear_ibuf [dreg:s9], $0x2FFFF;
	_ =	strace $0x9FFFFFFF  }
0xc9: {  	(tm) =	ssettm $0x7FFFFFFF  }
tec
execute0_lowered:
.L_overlay_start_1:
0x0: {  	(tag) =	ssettag $0x1  }
0x1: {  	s1 =	rddreg [dreg:$0x0]  }
0x2: {  	s4 =	rddreg [dreg:$0x1]  }
0x3: {  	s5 =	rddreg [dreg:$0x2]  }
0x4: {  	s0 =	rddreg [dreg:$0x3];
	s3 =	simm.s32 $0x0;
	s6 =	srdreg.scid  }
0x5: {  	s2 =	stileid.u32;
	s10 =	simm.s32 $0x1080;
	s11 =	simm.s32 $0x1880  }
0x6: {  	s12 =	simm.s32 $0x1;
	[smem:$0x7FF] =	sst s3;
	s6 =	sand.u32 $0x1, s6  }
0x7: {  	s8 =	sshll.u32 s2, $0x6;
	s7 =	ssub.s32 $0x2, s6;
	s6 =	sshll.u32 s6, $0x5  }
0x8: {  	_ =	strace $0x80000047;
	s9 =	sshrl.u32 s7, $0x1;
	s6 =	sor.u32 s6, s8  }
0x9: {  	v2 =	vlaneseq.u32;
	s7 =	ssub.s32 s7, s9;
	s8 =	sshrl.u32 s6, $0x3;
	s6 =	sshll.u32 s6, $0x5  }
0xa: {  	vm0 =	vmmov $0xffff;
	v1 =	vshrl.u32 v2, $0x3;
	s9 =	simm.s32 $0x880;
	s4 =	sadd.s32 s4, s8;
	s5 =	sadd.s32 s5, s6  }
0xb: {  	v0 =	vand.u32 $0x7, v2;
	v2 =	vor.u32 $0x8, v2;
	v1 =	vmul.u32 $0x8, v1;
	s6 =	smax.u32 s7, $0x1;
	s7 =	simm.s32 $0x2;
	s8 =	simm.s32 $0x80  }
.LBB2_1:
0xc: {  	[tilespmem:s3], [sflag:$0x2] =	stream.linear.gather [hbm4b:s4+s3], $0x20, $0x38;
	[tilespmem:$0x2080] =	vst v63  }
0xd: {  	_ =	swait.ge [sflag:s7], $0x20  }
0xe: {  	[sflag:s7] =	ssyncset.done $0x0  }
0xf: {  	[sflag:s7] =	ssyncadd.s32 $0xFFFFFFE0  }
0x10: {  	v3 =	vld [tilespmem:$0x0];
	_ =	sdelay $0x4  }
0x11: {  	v4 =	vshll.u32 v3, $0x1  }
0x12: {  	v3 =	vand.u32 $0x7, v3;
	v4 =	vand.u32 $0xFFFFFFF0, v4  }
0x13: {  	v3 =	vor.u32 v3, v4  }
0x14: {  	v4 =	vperm.xlane v3, v0;
	_ =	sdelay $0x1  }
0x15: {  	v3 =	vperm.xlane v3, v2;
	v4 =	vadd.s32 v1, v4;
	_ =	sdelay $0x1  }
0x16: {  	v3 =	vadd.s32 v1, v3;
	_ =	sdelay $0x2  }
0x17: {  	[tilespmem:s8], [sflag:$0x1] =	stream.indirect_vreg.gather [hbm4b:s1+s3], $0x80, v4, vm0, $0xb8;
	[tilespmem:$0x2080] =	vst v63  }
0x18: {  	_ = 	snop  }
0x19: {  	[tilespmem:s9], [sflag:$0x1] =	stream.indirect_vreg.gather [hbm4b:s1+s3], $0x80, v3, vm0, $0xb8;
	[tilespmem:$0x2080] =	vst v63  }
0x1a: {  	v3 =	vld [tilespmem:$0x10];
	_ =	sdelay $0x4  }
0x1b: {  	v63 =	vshll.u32 v3, $0x1  }
0x1c: {  	v3 =	vand.u32 $0x7, v3;
	v4 =	vand.u32 $0xFFFFFFF0, v63  }
0x1d: {  	v3 =	vor.u32 v3, v4  }
0x1e: {  	v4 =	vperm.xlane v3, v0;
	_ =	sdelay $0x1  }
0x1f: {  	v3 =	vperm.xlane v3, v2;
	v4 =	vadd.s32 v1, v4;
	_ =	sdelay $0x1  }
0x20: {  	v3 =	vadd.s32 v1, v3;
	_ =	sdelay $0x2  }
0x21: {  	[tilespmem:s10], [sflag:$0x1] =	stream.indirect_vreg.gather [hbm4b:s1+s3], $0x80, v4, vm0, $0xb8;
	[tilespmem:$0x2080] =	vst v63  }
0x22: {  	_ = 	snop  }
0x23: {  	[tilespmem:s11], [sflag:$0x1] =	stream.indirect_vreg.gather [hbm4b:s1+s3], $0x80, v3, vm0, $0xb8;
	[tilespmem:$0x2080] =	vst v63  }
0x24: {  	_ =	swait.ge [sflag:s12], $0x2000  }
0x25: {  	p0 =	sne.s32 s6, $0x1;
	[sflag:s12] =	ssyncset.done $0x0  }
.Ltmp0:
0x26: {  	[sflag:s12] =	ssyncadd.s32 $0xFFFFE000;
	(pc) =	sbr.rel @p0 .LBB2_1-.Ltmp0, $4  }
0x27: {  	[hbm4b:s5+s3] =	stream.linear.scatter [tilespmem:s8], [sflag:$0x2], $0x2000, $0x38;
	[tilespmem:$0x2080] =	vst v63  }
0x28: {  	_ =	swait.ge [sflag:s7], $0x2000  }
0x29: {  	[sflag:s7] =	ssyncset.done $0x0  }
0x2a: {  	s6 =	sadd.s32 $0xFFFFFFFF, s6;
	[sflag:s7] =	ssyncadd.s32 $0xFFFFE000  }
0x2b: {  	_ =	sfence.sel $0x180000  }
0x2c: {  	[bflag:$0x0] =	sbarrier.arrive $0xFFFF  }
0x2d: {  	p0 =	sne.s32 s2, $0x0;
	_ =	strace $0x90000047  }
0x2e: {  	s0 =	sadd.s32 @!p0 $0x100000, s0;
	[bflag:$0x2] =	sbarrier.arrive $0xFFFF  }
0x2f: {  	[sflag:s0] =	ssyncadd.tile.s32 @!p0 $0x1;
	_ =	shalt  }
.Lfunc_end2:
_tile_overlayer_lowered:
.L_overlay_start_2:
0x30: {  	(tag) =	ssettag $0x2  }
0x31: {  	s0 =	rddreg [dreg:$0x0];
	s2 =	stileid.u32  }
0x32: {  	s1 =	rddreg [dreg:$0x1];
	p0 =	sne.s32 s2, $0x0  }
0x33: {  	s3 =	rddreg [dreg:$0x2];
	[bflag:$0x3] =	sbarrier.arrive $0xFFFF;
	s2 =	simm.s32 @!p0 $0x1C02  }
0x34: {  	[timem:s3], [sflag:s2] =	dma.local @!p0 [hbm:s0], s1  }
0x35: {  	s0 =	simm.s32 @!p0 $0x2  }
0x36: {  	_ =	swait.ge @!p0 [sflag:s0], s1  }
0x37: {  	s1 =	ssub.s32 @!p0 $0x0, s1;
	[sflag:s0] =	ssyncset.done @!p0 $0x0  }
0x38: {  	[sflag:s0] =	ssyncadd.s32 @!p0 s1  }
0x39: {  	[bflag:$0x3] =	sbarrier.arrive $0xFFFF  }
0x3a: {  	_ =	shalt  }

</sc_bundles>
